<compile_context>
chip_gen: v7x
topology: tpu7x:2x2x1
jax: 0.10.2.dev20260603
libtpu: 0.0.44.dev20260713+nightly
codegen_flags: <defaults>
</compile_context>

<pallas_src>
import functools

import jax
import jax.numpy as jnp
from jax import lax
from jax.experimental import pallas as pl
from jax.experimental.pallas import tpu as pltpu
from jax.experimental.pallas import tpu_sc as plsc

DIM = 32
LANES = 16
NUM_CORES = 2
NUM_SUBCORES = 16
NUM_WORKERS = NUM_CORES * NUM_SUBCORES


def _make_kernel(batch):
    b_per_w = batch // NUM_WORKERS
    n_groups = b_per_w // LANES
    mesh = plsc.VectorSubcoreMesh(
        core_axis_name="c",
        subcore_axis_name="s",
        num_cores=NUM_CORES,
        num_subcores=NUM_SUBCORES,
    )

    @functools.partial(
        pl.kernel,
        out_type=jax.ShapeDtypeStruct((batch,), jnp.float32),
        mesh=mesh,
        scratch_types=[
            pltpu.VMEM((b_per_w,), jnp.int32),
            pltpu.VMEM((b_per_w,), jnp.int32),
            pltpu.VMEM((b_per_w, DIM), jnp.float32),
            pltpu.VMEM((b_per_w, DIM), jnp.float32),
            pltpu.VMEM((b_per_w * LANES,), jnp.float32),
            pltpu.VMEM((b_per_w,), jnp.float32),
            pltpu.SemaphoreType.DMA,
            pltpu.SemaphoreType.DMA,
        ],
        compiler_params=pltpu.CompilerParams(
            needs_layout_passes=False, use_tc_tiling_on_sc=False),
    )
    def scores_kernel(user_hbm, item_hbm, uidx_hbm, iidx_hbm, out_hbm,
                      uidx_v, iidx_v, urows_v, vrows_v, half_v, scores_v,
                      sem_u, sem_v):
        wid = lax.axis_index("s") * NUM_CORES + lax.axis_index("c")
        base = wid * b_per_w
        pltpu.sync_copy(uidx_hbm.at[pl.ds(base, b_per_w)], uidx_v)
        pltpu.sync_copy(iidx_hbm.at[pl.ds(base, b_per_w)], iidx_v)
        cp_u = pltpu.async_copy(user_hbm.at[uidx_v], urows_v, sem_u)
        cp_v = pltpu.async_copy(item_hbm.at[iidx_v], vrows_v, sem_v)
        cp_u.wait()
        cp_v.wait()

        def row_body(r, carry):
            u0 = urows_v[r, pl.ds(0, LANES)]
            u1 = urows_v[r, pl.ds(LANES, LANES)]
            v0 = vrows_v[r, pl.ds(0, LANES)]
            v1 = vrows_v[r, pl.ds(LANES, LANES)]
            half_v[pl.ds(r * LANES, LANES)] = u0 * v0 + u1 * v1
            return carry

        lax.fori_loop(0, b_per_w, row_body, 0)

        lane16 = lax.iota(jnp.int32, LANES) * LANES

        def group_body(g, carry):
            gbase = g * (LANES * LANES) + lane16
            acc = jnp.zeros((LANES,), jnp.float32)
            for l in range(LANES):
                acc = acc + plsc.load_gather(half_v, [gbase + l])
            scores_v[pl.ds(g * LANES, LANES)] = acc
            return carry

        lax.fori_loop(0, n_groups, group_body, 0)
        pltpu.sync_copy(scores_v, out_hbm.at[pl.ds(base, b_per_w)])

    return scores_kernel


@jax.jit
def kernel(user_emb, item_emb, user_idx, item_idx):
    batch = user_idx.shape[0]
    fn = _make_kernel(batch)
    return fn(user_emb, item_emb,
              user_idx.astype(jnp.int32), item_idx.astype(jnp.int32))

# --- scband reference (transcript-rebuilt; emitter-appended) ---
"""Pipeline reference for scband-lovar-net-5463198401380 (READ-ONLY COPY).

The authoritative reference and input builder live on the scoring server;
editing this copy changes nothing except your own understanding.
"""

import jax, jax.numpy as jnp
import numpy as np

N_USER = 1000000
N_ITEM = 1000000
DIM = 32
BATCH = 16384

def _xavier_uniform(key, shape, gain):
    fan_in, fan_out = shape[1], shape[0]
    a = gain * np.sqrt(6.0 / (fan_in + fan_out))
    return jax.random.uniform(key, shape, jnp.float32, -a, a)

def setup_inputs(seed: int = 0) -> dict:
    key = jax.random.key(seed)
    k1, k2, k3, k4 = jax.random.split(key, 4)
    gain = float(np.sqrt(2.0))  # calculate_gain('relu')
    user_emb = _xavier_uniform(k1, (N_USER, DIM), gain)
    item_emb = _xavier_uniform(k2, (N_ITEM, DIM), gain)
    user_idx = jax.random.randint(k3, (BATCH,), 0, N_USER, dtype=jnp.int64 if jax.config.jax_enable_x64 else jnp.int32)
    item_idx = jax.random.randint(k4, (BATCH,), 0, N_ITEM, dtype=jnp.int64 if jax.config.jax_enable_x64 else jnp.int32)
    return {"user_emb": user_emb, "item_emb": item_emb, "user_idx": user_idx, "item_idx": item_idx}

def reference(user_emb, item_emb, user_idx, item_idx):
    # Embedding lookups (gather rows from user/item tables), then MF-style dot-product score.
    u = jnp.take(user_emb, user_idx, axis=0)  # [B, dim]
    v = jnp.take(item_emb, item_idx, axis=0)  # [B, dim]
    scores = jnp.sum(u * v, axis=-1)          # [B]
    return scores

if __name__ == "__main__":
    import jax
    _d = setup_inputs()
    print(jax.jit(kernel)(*tuple(_d.values())))

</pallas_src>

<mosaic_0001>
#map = affine_map<(d0, d1) -> (0, 0)>
#map1 = affine_map<(d0, d1) -> (0)>
module attributes {stable_mosaic.version = 14 : i64} {
  func.func @scores_kernel(%arg0: i32, %arg1: i32, %arg2: memref<1000000x32xf32, #tpu.memory_space<hbm>>, %arg3: memref<1000000x32xf32, #tpu.memory_space<hbm>>, %arg4: memref<16384xi32, #tpu.memory_space<hbm>>, %arg5: memref<16384xi32, #tpu.memory_space<hbm>>, %arg6: memref<16384xf32, #tpu.memory_space<hbm>>, %arg7: memref<512xi32, #tpu.memory_space<vmem>>, %arg8: memref<512xi32, #tpu.memory_space<vmem>>, %arg9: memref<512x32xf32, #tpu.memory_space<vmem>>, %arg10: memref<512x32xf32, #tpu.memory_space<vmem>>, %arg11: memref<8192xf32, #tpu.memory_space<vmem>>, %arg12: memref<512xf32, #tpu.memory_space<vmem>>, %arg13: memref<!tpu.dma_semaphore, #tpu.memory_space<semaphore_mem>>, %arg14: memref<!tpu.dma_semaphore, #tpu.memory_space<semaphore_mem>>) attributes {dimension_semantics = [#tpu.dimension_semantics<core_parallel>, #tpu.dimension_semantics<subcore_parallel>], iteration_bounds = array<i64: 2, 16>, scalar_prefetch = 0 : i64, scratch_operands = 8 : i64, tpu.core_type = #tpu.core_type<sc_vector_subcore>, window_params = [{transform_indices = #map}, {transform_indices = #map}, {transform_indices = #map1}, {transform_indices = #map1}, {transform_indices = #map1}]} {
    %mul3A = arith.constant 2 : i32
    %mul3A_0 = arith.muli %arg1, %mul3A : i32
    %add3A = arith.addi %mul3A_0, %arg0 : i32
    %mul3A_1 = arith.constant 512 : i32
    %mul3A_2 = arith.muli %add3A, %mul3A_1 : i32
    "tpu.region"() ({
      %run_scoped3A = tpu.sem_alloc : memref<!tpu.dma_semaphore, #tpu.memory_space<semaphore_mem>>
      %dma_start3A_27 = tpu.memref_slice %arg4[%mul3A_2] : memref<16384xi32, #tpu.memory_space<hbm>> -> memref<512xi32, #tpu.memory_space<hbm>>
      %dma_start3A_28 = tpu.memref_slice %arg4[%mul3A_2] : memref<16384xi32, #tpu.memory_space<hbm>> -> memref<512xi32, #tpu.memory_space<hbm>>
      tpu.enqueue_dma source(%dma_start3A_28 : memref<512xi32, #tpu.memory_space<hbm>>) target(%arg7 : memref<512xi32, #tpu.memory_space<vmem>>) target_semaphore(%run_scoped3A : memref<!tpu.dma_semaphore, #tpu.memory_space<semaphore_mem>>)
      %dma_wait3A_29 = tpu.memref_slice %arg4[%mul3A_2] : memref<16384xi32, #tpu.memory_space<hbm>> -> memref<512xi32, #tpu.memory_space<hbm>>
      %dma_wait3A_30 = tpu.memref_slice %arg4[%mul3A_2] : memref<16384xi32, #tpu.memory_space<hbm>> -> memref<512xi32, #tpu.memory_space<hbm>>
      tpu.wait_dma2 semaphore(%run_scoped3A : memref<!tpu.dma_semaphore, #tpu.memory_space<semaphore_mem>>) src(%dma_wait3A_30 : memref<512xi32, #tpu.memory_space<hbm>>) dst(%arg7 : memref<512xi32, #tpu.memory_space<vmem>>)
      tpu.yield
    }) : () -> ()
    "tpu.region"() ({
      %run_scoped3A = tpu.sem_alloc : memref<!tpu.dma_semaphore, #tpu.memory_space<semaphore_mem>>
      %dma_start3A_27 = tpu.memref_slice %arg5[%mul3A_2] : memref<16384xi32, #tpu.memory_space<hbm>> -> memref<512xi32, #tpu.memory_space<hbm>>
      %dma_start3A_28 = tpu.memref_slice %arg5[%mul3A_2] : memref<16384xi32, #tpu.memory_space<hbm>> -> memref<512xi32, #tpu.memory_space<hbm>>
      tpu.enqueue_dma source(%dma_start3A_28 : memref<512xi32, #tpu.memory_space<hbm>>) target(%arg8 : memref<512xi32, #tpu.memory_space<vmem>>) target_semaphore(%run_scoped3A : memref<!tpu.dma_semaphore, #tpu.memory_space<semaphore_mem>>)
      %dma_wait3A_29 = tpu.memref_slice %arg5[%mul3A_2] : memref<16384xi32, #tpu.memory_space<hbm>> -> memref<512xi32, #tpu.memory_space<hbm>>
      %dma_wait3A_30 = tpu.memref_slice %arg5[%mul3A_2] : memref<16384xi32, #tpu.memory_space<hbm>> -> memref<512xi32, #tpu.memory_space<hbm>>
      tpu.wait_dma2 semaphore(%run_scoped3A : memref<!tpu.dma_semaphore, #tpu.memory_space<semaphore_mem>>) src(%dma_wait3A_30 : memref<512xi32, #tpu.memory_space<hbm>>) dst(%arg8 : memref<512xi32, #tpu.memory_space<vmem>>)
      tpu.yield
    }) : () -> ()
    %dma_start3A = arith.constant 0 : i32
    %dma_start3A_3 = arith.constant 0 : i32
    %dma_start3A_4 = tpu.memref_slice %arg2[%dma_start3A, %dma_start3A_3] : memref<1000000x32xf32, #tpu.memory_space<hbm>> -> memref<1000000x32xf32, #tpu.memory_space<hbm>>
    tpu.enqueue_indirect_dma source(%dma_start3A_4 : memref<1000000x32xf32, #tpu.memory_space<hbm>>) target(%arg9 : memref<512x32xf32, #tpu.memory_space<vmem>>) offsets(%arg7 : memref<512xi32, #tpu.memory_space<vmem>>) semaphore(%arg13 : memref<!tpu.dma_semaphore, #tpu.memory_space<semaphore_mem>>)
    %dma_start3A_5 = arith.constant 0 : i32
    %dma_start3A_6 = arith.constant 0 : i32
    %dma_start3A_7 = tpu.memref_slice %arg3[%dma_start3A_5, %dma_start3A_6] : memref<1000000x32xf32, #tpu.memory_space<hbm>> -> memref<1000000x32xf32, #tpu.memory_space<hbm>>
    tpu.enqueue_indirect_dma source(%dma_start3A_7 : memref<1000000x32xf32, #tpu.memory_space<hbm>>) target(%arg10 : memref<512x32xf32, #tpu.memory_space<vmem>>) offsets(%arg8 : memref<512xi32, #tpu.memory_space<vmem>>) semaphore(%arg14 : memref<!tpu.dma_semaphore, #tpu.memory_space<semaphore_mem>>)
    %dma_wait3A = arith.constant 0 : i32
    %dma_wait3A_8 = arith.constant 0 : i32
    %dma_wait3A_9 = tpu.memref_slice %arg2[%dma_wait3A, %dma_wait3A_8] : memref<1000000x32xf32, #tpu.memory_space<hbm>> -> memref<1000000x32xf32, #tpu.memory_space<hbm>>
    tpu.wait_indirect_dma semaphore(%arg13 : memref<!tpu.dma_semaphore, #tpu.memory_space<semaphore_mem>>) src(%dma_wait3A_9 : memref<1000000x32xf32, #tpu.memory_space<hbm>>) dst(%arg9 : memref<512x32xf32, #tpu.memory_space<vmem>>)
    %dma_wait3A_10 = arith.constant 0 : i32
    %dma_wait3A_11 = arith.constant 0 : i32
    %dma_wait3A_12 = tpu.memref_slice %arg3[%dma_wait3A_10, %dma_wait3A_11] : memref<1000000x32xf32, #tpu.memory_space<hbm>> -> memref<1000000x32xf32, #tpu.memory_space<hbm>>
    tpu.wait_indirect_dma semaphore(%arg14 : memref<!tpu.dma_semaphore, #tpu.memory_space<semaphore_mem>>) src(%dma_wait3A_12 : memref<1000000x32xf32, #tpu.memory_space<hbm>>) dst(%arg10 : memref<512x32xf32, #tpu.memory_space<vmem>>)
    %scan3A = arith.constant 0 : i32
    %scan3A_13 = arith.constant 0 : i32
    %scan3A_14 = arith.constant 512 : i32
    %scan3A_15 = arith.addi %scan3A_13, %scan3A_14 : i32
    %scan3A_16 = arith.constant 1 : i32
    scf.for %scan3A_27 = %scan3A_13 to %scan3A_15 step %scan3A_16  : i32 {
      %get3A = arith.index_cast %scan3A_27 : i32 to index
      %get3A_28 = arith.constant 0 : index
      %get3A_29 = tpu.vector_load %arg9[%get3A, %get3A_28] {strides = array<i32>} : memref<512x32xf32, #tpu.memory_space<vmem>>, vector<16xf32>,
      %get3A_30 = arith.index_cast %scan3A_27 : i32 to index
      %get3A_31 = arith.constant 16 : index
      %get3A_32 = tpu.vector_load %arg9[%get3A_30, %get3A_31] {strides = array<i32>} : memref<512x32xf32, #tpu.memory_space<vmem>>, vector<16xf32>,
      %get3A_33 = arith.index_cast %scan3A_27 : i32 to index
      %get3A_34 = arith.constant 0 : index
      %get3A_35 = tpu.vector_load %arg10[%get3A_33, %get3A_34] {strides = array<i32>} : memref<512x32xf32, #tpu.memory_space<vmem>>, vector<16xf32>,
      %get3A_36 = arith.index_cast %scan3A_27 : i32 to index
      %get3A_37 = arith.constant 16 : index
      %get3A_38 = tpu.vector_load %arg10[%get3A_36, %get3A_37] {strides = array<i32>} : memref<512x32xf32, #tpu.memory_space<vmem>>, vector<16xf32>,
      %mul3A_39 = arith.mulf %get3A_29, %get3A_35 : vector<16xf32>
      %mul3A_40 = arith.mulf %get3A_32, %get3A_38 : vector<16xf32>
      %add3A_41 = arith.addf %mul3A_39, %mul3A_40 : vector<16xf32>
      %mul3A_42 = arith.constant 16 : i32
      %mul3A_43 = arith.muli %scan3A_27, %mul3A_42 : i32
      %swap3A = arith.index_cast %mul3A_43 : i32 to index
      %swap3A_44 = tpu.vector_load %arg11[%swap3A] {strides = array<i32>} : memref<8192xf32, #tpu.memory_space<vmem>>, vector<16xf32>,
      tpu.vector_store %arg11[%swap3A], %add3A_41 {strides = array<i32>} : memref<8192xf32, #tpu.memory_space<vmem>>, vector<16xf32>,
    }
    %scan3A_17 = arith.constant 512 : i32
    %iota3A = tpu.iota {dimensions = array<i32: 0>} : vector<16xi32>
    %mul3A_18 = arith.constant 16 : i32
    %mul3A_19 = vector.broadcast %mul3A_18 : i32 to vector<16xi32>
    %mul3A_20 = arith.muli %iota3A, %mul3A_19 : vector<16xi32>
    %scan3A_21 = arith.constant 0 : i32
    %scan3A_22 = arith.constant 0 : i32
    %scan3A_23 = arith.constant 32 : i32
    %scan3A_24 = arith.addi %scan3A_22, %scan3A_23 : i32
    %scan3A_25 = arith.constant 1 : i32
    scf.for %scan3A_27 = %scan3A_22 to %scan3A_24 step %scan3A_25  : i32 {
      %mul3A_28 = arith.constant 256 : i32
      %mul3A_29 = arith.muli %scan3A_27, %mul3A_28 : i32
      %add3A_30 = vector.broadcast %mul3A_29 : i32 to vector<16xi32>
      %add3A_31 = arith.addi %add3A_30, %mul3A_20 : vector<16xi32>
      %broadcast_in_dim3A = arith.constant 0.000000e+00 : f32
      %broadcast_in_dim3A_32 = vector.broadcast %broadcast_in_dim3A : f32 to vector<16xf32>
      %add3A_33 = arith.constant 0 : i32
      %add3A_34 = vector.broadcast %add3A_33 : i32 to vector<16xi32>
      %add3A_35 = arith.addi %add3A_31, %add3A_34 : vector<16xi32>
      %gather3A = tpu.vector_load_idx %arg11[%add3A_35] : memref<8192xf32, #tpu.memory_space<vmem>>[vector<16xi32>], vector<16xf32>,
      %add3A_36 = arith.addf %broadcast_in_dim3A_32, %gather3A : vector<16xf32>
      %add3A_37 = arith.constant 1 : i32
      %add3A_38 = vector.broadcast %add3A_37 : i32 to vector<16xi32>
      %add3A_39 = arith.addi %add3A_31, %add3A_38 : vector<16xi32>
      %gather3A_40 = tpu.vector_load_idx %arg11[%add3A_39] : memref<8192xf32, #tpu.memory_space<vmem>>[vector<16xi32>], vector<16xf32>,
      %add3A_41 = arith.addf %add3A_36, %gather3A_40 : vector<16xf32>
      %add3A_42 = arith.constant 2 : i32
      %add3A_43 = vector.broadcast %add3A_42 : i32 to vector<16xi32>
      %add3A_44 = arith.addi %add3A_31, %add3A_43 : vector<16xi32>
      %gather3A_45 = tpu.vector_load_idx %arg11[%add3A_44] : memref<8192xf32, #tpu.memory_space<vmem>>[vector<16xi32>], vector<16xf32>,
      %add3A_46 = arith.addf %add3A_41, %gather3A_45 : vector<16xf32>
      %add3A_47 = arith.constant 3 : i32
      %add3A_48 = vector.broadcast %add3A_47 : i32 to vector<16xi32>
      %add3A_49 = arith.addi %add3A_31, %add3A_48 : vector<16xi32>
      %gather3A_50 = tpu.vector_load_idx %arg11[%add3A_49] : memref<8192xf32, #tpu.memory_space<vmem>>[vector<16xi32>], vector<16xf32>,
      %add3A_51 = arith.addf %add3A_46, %gather3A_50 : vector<16xf32>
      %add3A_52 = arith.constant 4 : i32
      %add3A_53 = vector.broadcast %add3A_52 : i32 to vector<16xi32>
      %add3A_54 = arith.addi %add3A_31, %add3A_53 : vector<16xi32>
      %gather3A_55 = tpu.vector_load_idx %arg11[%add3A_54] : memref<8192xf32, #tpu.memory_space<vmem>>[vector<16xi32>], vector<16xf32>,
      %add3A_56 = arith.addf %add3A_51, %gather3A_55 : vector<16xf32>
      %add3A_57 = arith.constant 5 : i32
      %add3A_58 = vector.broadcast %add3A_57 : i32 to vector<16xi32>
      %add3A_59 = arith.addi %add3A_31, %add3A_58 : vector<16xi32>
      %gather3A_60 = tpu.vector_load_idx %arg11[%add3A_59] : memref<8192xf32, #tpu.memory_space<vmem>>[vector<16xi32>], vector<16xf32>,
      %add3A_61 = arith.addf %add3A_56, %gather3A_60 : vector<16xf32>
      %add3A_62 = arith.constant 6 : i32
      %add3A_63 = vector.broadcast %add3A_62 : i32 to vector<16xi32>
      %add3A_64 = arith.addi %add3A_31, %add3A_63 : vector<16xi32>
      %gather3A_65 = tpu.vector_load_idx %arg11[%add3A_64] : memref<8192xf32, #tpu.memory_space<vmem>>[vector<16xi32>], vector<16xf32>,
      %add3A_66 = arith.addf %add3A_61, %gather3A_65 : vector<16xf32>
      %add3A_67 = arith.constant 7 : i32
      %add3A_68 = vector.broadcast %add3A_67 : i32 to vector<16xi32>
      %add3A_69 = arith.addi %add3A_31, %add3A_68 : vector<16xi32>
      %gather3A_70 = tpu.vector_load_idx %arg11[%add3A_69] : memref<8192xf32, #tpu.memory_space<vmem>>[vector<16xi32>], vector<16xf32>,
      %add3A_71 = arith.addf %add3A_66, %gather3A_70 : vector<16xf32>
      %add3A_72 = arith.constant 8 : i32
      %add3A_73 = vector.broadcast %add3A_72 : i32 to vector<16xi32>
      %add3A_74 = arith.addi %add3A_31, %add3A_73 : vector<16xi32>
      %gather3A_75 = tpu.vector_load_idx %arg11[%add3A_74] : memref<8192xf32, #tpu.memory_space<vmem>>[vector<16xi32>], vector<16xf32>,
      %add3A_76 = arith.addf %add3A_71, %gather3A_75 : vector<16xf32>
      %add3A_77 = arith.constant 9 : i32
      %add3A_78 = vector.broadcast %add3A_77 : i32 to vector<16xi32>
      %add3A_79 = arith.addi %add3A_31, %add3A_78 : vector<16xi32>
      %gather3A_80 = tpu.vector_load_idx %arg11[%add3A_79] : memref<8192xf32, #tpu.memory_space<vmem>>[vector<16xi32>], vector<16xf32>,
      %add3A_81 = arith.addf %add3A_76, %gather3A_80 : vector<16xf32>
      %add3A_82 = arith.constant 10 : i32
      %add3A_83 = vector.broadcast %add3A_82 : i32 to vector<16xi32>
      %add3A_84 = arith.addi %add3A_31, %add3A_83 : vector<16xi32>
      %gather3A_85 = tpu.vector_load_idx %arg11[%add3A_84] : memref<8192xf32, #tpu.memory_space<vmem>>[vector<16xi32>], vector<16xf32>,
      %add3A_86 = arith.addf %add3A_81, %gather3A_85 : vector<16xf32>
      %add3A_87 = arith.constant 11 : i32
      %add3A_88 = vector.broadcast %add3A_87 : i32 to vector<16xi32>
      %add3A_89 = arith.addi %add3A_31, %add3A_88 : vector<16xi32>
      %gather3A_90 = tpu.vector_load_idx %arg11[%add3A_89] : memref<8192xf32, #tpu.memory_space<vmem>>[vector<16xi32>], vector<16xf32>,
      %add3A_91 = arith.addf %add3A_86, %gather3A_90 : vector<16xf32>
      %add3A_92 = arith.constant 12 : i32
      %add3A_93 = vector.broadcast %add3A_92 : i32 to vector<16xi32>
      %add3A_94 = arith.addi %add3A_31, %add3A_93 : vector<16xi32>
      %gather3A_95 = tpu.vector_load_idx %arg11[%add3A_94] : memref<8192xf32, #tpu.memory_space<vmem>>[vector<16xi32>], vector<16xf32>,
      %add3A_96 = arith.addf %add3A_91, %gather3A_95 : vector<16xf32>
      %add3A_97 = arith.constant 13 : i32
      %add3A_98 = vector.broadcast %add3A_97 : i32 to vector<16xi32>
      %add3A_99 = arith.addi %add3A_31, %add3A_98 : vector<16xi32>
      %gather3A_100 = tpu.vector_load_idx %arg11[%add3A_99] : memref<8192xf32, #tpu.memory_space<vmem>>[vector<16xi32>], vector<16xf32>,
      %add3A_101 = arith.addf %add3A_96, %gather3A_100 : vector<16xf32>
      %add3A_102 = arith.constant 14 : i32
      %add3A_103 = vector.broadcast %add3A_102 : i32 to vector<16xi32>
      %add3A_104 = arith.addi %add3A_31, %add3A_103 : vector<16xi32>
      %gather3A_105 = tpu.vector_load_idx %arg11[%add3A_104] : memref<8192xf32, #tpu.memory_space<vmem>>[vector<16xi32>], vector<16xf32>,
      %add3A_106 = arith.addf %add3A_101, %gather3A_105 : vector<16xf32>
      %add3A_107 = arith.constant 15 : i32
      %add3A_108 = vector.broadcast %add3A_107 : i32 to vector<16xi32>
      %add3A_109 = arith.addi %add3A_31, %add3A_108 : vector<16xi32>
      %gather3A_110 = tpu.vector_load_idx %arg11[%add3A_109] : memref<8192xf32, #tpu.memory_space<vmem>>[vector<16xi32>], vector<16xf32>,
      %add3A_111 = arith.addf %add3A_106, %gather3A_110 : vector<16xf32>
      %mul3A_112 = arith.constant 16 : i32
      %mul3A_113 = arith.muli %scan3A_27, %mul3A_112 : i32
      %swap3A = arith.index_cast %mul3A_113 : i32 to index
      %swap3A_114 = tpu.vector_load %arg12[%swap3A] {strides = array<i32>} : memref<512xf32, #tpu.memory_space<vmem>>, vector<16xf32>,
      tpu.vector_store %arg12[%swap3A], %add3A_111 {strides = array<i32>} : memref<512xf32, #tpu.memory_space<vmem>>, vector<16xf32>,
    }
    %scan3A_26 = arith.constant 32 : i32
    "tpu.region"() ({
      %run_scoped3A = tpu.sem_alloc : memref<!tpu.dma_semaphore, #tpu.memory_space<semaphore_mem>>
      %dma_start3A_27 = tpu.memref_slice %arg6[%mul3A_2] : memref<16384xf32, #tpu.memory_space<hbm>> -> memref<512xf32, #tpu.memory_space<hbm>>
      %dma_start3A_28 = tpu.memref_slice %arg6[%mul3A_2] : memref<16384xf32, #tpu.memory_space<hbm>> -> memref<512xf32, #tpu.memory_space<hbm>>
      tpu.enqueue_dma source(%arg12 : memref<512xf32, #tpu.memory_space<vmem>>) target(%dma_start3A_28 : memref<512xf32, #tpu.memory_space<hbm>>) target_semaphore(%run_scoped3A : memref<!tpu.dma_semaphore, #tpu.memory_space<semaphore_mem>>)
      %dma_wait3A_29 = tpu.memref_slice %arg6[%mul3A_2] : memref<16384xf32, #tpu.memory_space<hbm>> -> memref<512xf32, #tpu.memory_space<hbm>>
      %dma_wait3A_30 = tpu.memref_slice %arg6[%mul3A_2] : memref<16384xf32, #tpu.memory_space<hbm>> -> memref<512xf32, #tpu.memory_space<hbm>>
      tpu.wait_dma2 semaphore(%run_scoped3A : memref<!tpu.dma_semaphore, #tpu.memory_space<semaphore_mem>>) src(%arg12 : memref<512xf32, #tpu.memory_space<vmem>>) dst(%dma_wait3A_30 : memref<512xf32, #tpu.memory_space<hbm>>)
      tpu.yield
    }) : () -> ()
    return
  }
}

</mosaic_0001>

<sc_bundles>
// kernel: kernel.3.cloned.1.call-start
scs
__scs_entry_jumppad:
0x0: {  	(pc) =	sbr.rel $0x88, $3  }
0x1: {  	(tag) =	ssettag $0x0;
	lr =	simm.s32 $0x1  }
0x2: {  	[smem:$0x3F9D] =	sst lr;
	_ =	strace $0xD0000000  }
0x3: {  	_ = 	snop  }
0x4: {  	_ = 	snop  }
0x5: {  	_ = 	snop  }
0x6: {  	_ = 	snop  }
0x7: {  	_ = 	snop  }
__scs_overlays_trampoline_lowered:
0x8: {  	[smem:$0x3FAC] =	sst s0  }
0x9: {  	[smem:$0x3FAD] =	sst s1  }
0xa: {  	[smem:$0x3FAE] =	sst s2  }
0xb: {  	[smem:$0x3FAF] =	sst s3  }
0xc: {  	[smem:$0x3FB0] =	sst s4  }
0xd: {  	[smem:$0x3FB1] =	sst s5  }
0xe: {  	[smem:$0x3FB2] =	sst s6  }
0xf: {  	[smem:$0x3FB3] =	sst s7  }
0x10: {  	[smem:$0x3FB4] =	sst s8  }
0x11: {  	[smem:$0x3FB5] =	sst s9;
	s0 =	simm.s32 @!p0 $0x0  }
0x12: {  	s1 =	sld [smem:$0x3F9B];
	s0 =	simm.s32 @p0 $0x1  }
0x13: {  	[smem:$0x3FB6] =	sst s0;
	s0 =	simm.s32 @!p1 $0x0  }
0x14: {  	s2 =	sld [smem:$0x3F9A];
	s0 =	simm.s32 @p1 $0x1  }
0x15: {  	[smem:$0x3FB7] =	sst s0;
	s0 =	simm.s32 @!p2 $0x0  }
0x16: {  	s3 =	sld [smem:$0x3FDB];
	s0 =	simm.s32 @p2 $0x1  }
0x17: {  	s4 =	simm.s32 $0x1BF5;
	[smem:$0x3FB9] =	sst s0  }
0x18: {  	s0 =	sld [smem:$0x3F9C];
	_ =	swait.ge [sflag:s4], $0x0  }
0x19: {  	s7 =	sld [smem:$0x3F9D]  }
0x1a: {  	s8 =	sadd.s32 $0xFFFFE003, lr  }
0x1b: {  	s9 =	sadd.s32 $0xFFFFFEF7, lr;
	s5 =	simm.s32 $0xFFFFFFFF;
	p2 =	slt.u32 s8, $0xFFFFF086  }
0x1c: {  	p1 =	slt.u32 s9, $0xF7A;
	s5 =	simm.s32 @!p2 $0x0  }
0x1d: {  	s5 =	simm.s32 @p1 $0x1;
	p0 =	seq.s32 s7, s2  }
0x1e: {  	s7 =	smul.u32 @!p0 $0xF7A, s2;
	p2 =	seq.s32 @!p0 s5, $0x0  }
0x1f: {  	s9 =	smul.u32 $0xF7A, s1;
	s8 =	simm.s32 @!p0 $0x1BF5;
	p2 =	por !p2, p0  }
0x20: {  	[sflag:s8] =	ssyncset.s32 @!p0 $0xFFFFF086;
	s6 =	sadd.s32 @!p0 s3, s7;
	s7 =	simm.s32 @!p0 $0x108  }
0x21: {  	s3 =	sadd.s32 s3, s9;
	s6 =	sadd.s32 @!p0 $0x88, s6;
	s7 =	simm.s32 @p2 $0x1082  }
0x22: {  	[simem:s7], [sflag:s8] =	dma.local @!p0 [hbm:s6], $0xF7A  }
0x23: {  	s9 =	sor.u32 $0xD0000000, s2;
	s6 =	simm.s32 $0x108;
	_ =	swait.ge @!p0 [sflag:s8], $0x0  }
0x24: {  	s3 =	sadd.s32 $0x88, s3;
	s6 =	simm.s32 @!p1 $0x1082;
	[sflag:s4] =	ssyncset.s32 $0xFFFFF086  }
0x25: {  	[simem:s6], [sflag:s4] =	dma.local [hbm:s3], $0xF7A  }
0x26: {  	[smem:$0x3F9D] =	sst s1;
	(tag) =	ssettag s2;
	_ =	strace s9  }
0x27: {  	s1 =	sld [smem:$0x3FAD]  }
0x28: {  	s2 =	sld [smem:$0x3FAE]  }
0x29: {  	s4 =	sld [smem:$0x3FB0]  }
0x2a: {  	p0 =	seq.s32 s5, $0x0;
	s5 =	sld [smem:$0x3FB1]  }
0x2b: {  	s6 =	sld [smem:$0x3FB2]  }
0x2c: {  	s7 =	sld [smem:$0x3FB3]  }
0x2d: {  	s3 =	simm.s32 $0x108;
	s8 =	sld [smem:$0x3FB4]  }
0x2e: {  	s3 =	simm.s32 @!p0 $0x1082;
	s9 =	sld [smem:$0x3FB5]  }
0x2f: {  	lr =	sadd.s32 s0, s3;
	s0 =	sld [smem:$0x3FAC]  }
0x30: {  	s3 =	sld [smem:$0x3FAF]  }
0x31: {  	[smem:$0x3FB8] =	sst s10  }
0x32: {  	s10 =	sld [smem:$0x3FB6];
	_ =	sdelay $0x3  }
0x33: {  	p0 =	seq.s32 s10, $0x1;
	s10 =	sld [smem:$0x3FB8];
	_ =	sdelay $0x3  }
0x34: {  	[smem:$0x3FB8] =	sst s10  }
0x35: {  	s10 =	sld [smem:$0x3FB7];
	_ =	sdelay $0x3  }
0x36: {  	p1 =	seq.s32 s10, $0x1;
	s10 =	sld [smem:$0x3FB8];
	_ =	sdelay $0x3  }
0x37: {  	[smem:$0x3FB8] =	sst s10  }
0x38: {  	s10 =	sld [smem:$0x3FB9]  }
0x39: {  	_ = 	snop;
	(pc) =	sbr.ind lr, $3  }
0x3a: {  	_ = 	snop  }
0x3b: {  	_ = 	snop  }
0x3c: {  	p2 =	seq.s32 s10, $0x1;
	s10 =	sld [smem:$0x3FB8]  }
0x3d: {  	_ =	shalt  }
0x3e: {  	_ =	shalt  }
0x3f: {  	_ =	shalt  }
0x40: {  	_ =	shalt  }
0x41: {  	_ =	shalt  }
0x42: {  	_ =	shalt  }
0x43: {  	_ =	shalt  }
0x44: {  	_ =	shalt  }
0x45: {  	_ =	shalt  }
0x46: {  	_ =	shalt  }
0x47: {  	_ =	shalt  }
0x48: {  	_ =	shalt  }
0x49: {  	_ =	shalt  }
0x4a: {  	_ =	shalt  }
0x4b: {  	_ =	shalt  }
0x4c: {  	_ =	shalt  }
0x4d: {  	_ =	shalt  }
0x4e: {  	_ =	shalt  }
0x4f: {  	_ =	shalt  }
0x50: {  	_ =	shalt  }
0x51: {  	_ =	shalt  }
0x52: {  	_ =	shalt  }
0x53: {  	_ =	shalt  }
0x54: {  	_ =	shalt  }
0x55: {  	_ =	shalt  }
0x56: {  	_ =	shalt  }
0x57: {  	_ =	shalt  }
0x58: {  	_ =	shalt  }
0x59: {  	_ =	shalt  }
0x5a: {  	_ =	shalt  }
0x5b: {  	_ =	shalt  }
0x5c: {  	_ =	shalt  }
0x5d: {  	_ =	shalt  }
0x5e: {  	_ =	shalt  }
0x5f: {  	_ =	shalt  }
0x60: {  	_ =	shalt  }
0x61: {  	_ =	shalt  }
0x62: {  	_ =	shalt  }
0x63: {  	_ =	shalt  }
0x64: {  	_ =	shalt  }
0x65: {  	_ =	shalt  }
0x66: {  	_ =	shalt  }
0x67: {  	_ =	shalt  }
0x68: {  	_ =	shalt  }
0x69: {  	_ =	shalt  }
0x6a: {  	_ =	shalt  }
0x6b: {  	_ =	shalt  }
0x6c: {  	_ =	shalt  }
0x6d: {  	_ =	shalt  }
0x6e: {  	_ =	shalt  }
0x6f: {  	_ =	shalt  }
0x70: {  	_ =	shalt  }
0x71: {  	_ =	shalt  }
0x72: {  	_ =	shalt  }
0x73: {  	_ =	shalt  }
0x74: {  	_ =	shalt  }
0x75: {  	_ =	shalt  }
0x76: {  	_ =	shalt  }
0x77: {  	_ =	shalt  }
0x78: {  	_ =	shalt  }
0x79: {  	_ =	shalt  }
0x7a: {  	_ =	shalt  }
0x7b: {  	_ =	shalt  }
0x7c: {  	_ =	shalt  }
0x7d: {  	_ =	shalt  }
0x7e: {  	_ =	shalt  }
0x7f: {  	_ =	shalt  }
0x80: {  	_ =	shalt  }
0x81: {  	_ =	shalt  }
0x82: {  	_ =	shalt  }
0x83: {  	_ =	shalt  }
0x84: {  	_ =	shalt  }
0x85: {  	_ =	shalt  }
0x86: {  	_ =	shalt  }
0x87: {  	_ =	shalt  }
.Lfunc_end0:
.L_simem_size_0:
called_computation_lowered:
.L_overlay_start_0:
0x88: {  	s2 =	sld [smem:$0x3FD9]  }
0x89: {  	s3 =	sld [smem:$0x3FFE];
	_ =	sdelay $0x1  }
0x8a: {  	s1 =	srdreg.scid  }
0x8b: {  	s0 =	sand.u32 $0x1, s1  }
0x8c: {  	s17 =	sshll.u32 s0, $0xA;
	s2 =	sadd.s32 s3, s2  }
0x8d: {  	s2 =	sadd.s32 s2, s17  }
0x8e: {  	[smem:$0x3FC4] =	sst s2  }
0x8f: {  	_ = 	snop  }
0x90: {  	s2 =	sld [smem:$0x3FC7]  }
0x91: {  	s18 =	sld [smem:$0x3FC6]  }
0x92: {  	s4 =	sld [smem:$0x3FD0];
	(tm) =	ssettm $0x1  }
0x93: {  	s5 =	sld [smem:$0x3FFB];
	_ =	sdelay $0x3  }
0x94: {  	_ =	strace s5  }
0x95: {  	s5 =	sld [smem:$0x3FFC];
	_ =	sdelay $0x3  }
0x96: {  	_ =	strace s5  }
0x97: {  	s5 =	sld [smem:$0x3FFD];
	_ =	sdelay $0x3  }
0x98: {  	_ =	strace s5  }
0x99: {  	_ =	strace $0x8FFFFFFF  }
0x9a: {  	s19 =	sld [smem:$0x3FDB];
	_ =	sdelay $0x1  }
0x9b: {  	s6 =	simm.s32 $_scs_section_size  }
0x9c: {  	s7 =	simm.s32 $_size__tile_overlayer_lowered;
	s8 =	simm.s32 $_tile_overlayer_lowered  }
0x9d: {  	s22 =	simm.s32 $0x1BFF;
	s21 =	sshll.u32 s8, $0x1;
	s5 =	sadd.s32 s6, s19  }
0x9e: {  	s9 =	simm.s32 $0x0;
	s20 =	sshll.u32 s7, $0x1;
	s7 =	sadd.s32 s21, s5  }
0x9f: {  	[timem:s9], [sflag:s22] =	dma.local [hbm:s7], s20  }
0xa0: {  	_ =	swait.ge [sflag:s22], s20  }
0xa1: {  	s6 =	ssub.s32 $0x0, s20;
	[sflag:s22] =	ssyncset.done $0x0  }
0xa2: {  	[sflag:s22] =	ssyncadd.s32 s6;
	_ =	sdelay $0x1  }
0xa3: {  	s23 =	simm.s32 $0x1B8B  }
0xa4: {  	_ =	swait.ge [sflag:s23], $0x1  }
0xa5: {  	[sflag:s23] =	ssyncset.done $0x0  }
0xa6: {  	s25 =	simm.s32 $0x1B8E;
	s24 =	sld [smem:$0x3FFE];
	[sflag:s23] =	ssyncadd.s32 $0xFFFFFFFF  }
0xa7: {  	s26 =	simm.s32 $execute0_lowered;
	[smem:$0x3FD2] =	sst s25  }
0xa8: {  	s7 =	sshll.u32 s26, $0x1;
	_ =	strace $0x80000046;
	[dreg:$0x1] =	wrdreg $0xFFFFFFFF  }
0xa9: {  	s28 =	simm.s32 $_size_execute0_lowered;
	s5 =	sadd.s32 s5, s7;
	[dreg:$0x0] =	wrdreg $0x0  }
0xaa: {  	s7 =	sshll.u32 s28, $0x1;
	[dreg:$0x2] =	wrdreg s5  }
0xab: {  	[dreg:$0x3] =	wrdreg s7  }
0xac: {  	[dreg:$0x4] =	wrdreg $0xC0  }
0xad: {  	_ =	task [dreg:s9], $0x5FFFF  }
0xae: {  	[dreg:$0x1] =	wrdreg $0xFFFFFFFF  }
0xaf: {  	[dreg:$0x0] =	wrdreg $0x60  }
0xb0: {  	[dreg:$0x2] =	wrdreg s24  }
0xb1: {  	[dreg:$0x3] =	wrdreg s2  }
0xb2: {  	[dreg:$0x4] =	wrdreg s18  }
0xb3: {  	[dreg:$0x5] =	wrdreg s4  }
0xb4: {  	[dreg:$0x6] =	wrdreg $0x9  }
0xb5: {  	_ =	task.clear_ibuf [dreg:s9], $0x7FFFF;
	_ =	strace $0x90000046  }
0xb6: {  	s29 =	simm.s32 $0x9;
	_ =	strace $0x80000048  }
0xb7: {  	_ =	swait.ge [sflag:s29], $0x1  }
0xb8: {  	[sflag:s29] =	ssyncadd.s32 $0xFFFFFFFF  }
0xb9: {  	_ =	strace $0x90000048  }
0xba: {  	_ =	sfence  }
0xbb: {  	s30 =	sld [smem:$0x0];
	_ =	sdelay $0x2  }
0xbc: {  	s31 =	sshll.u32 s1, $0xD;
	s1 =	sshrl.u32 s1, $0x2  }
0xbd: {  	s3 =	sand.u32 $0x4000, s31;
	s1 =	sadd.s32 s1, s30  }
0xbe: {  	s0 =	sor.u32 s3, s0;
	s1 =	sshll.u32 s1, $0x11  }
0xbf: {  	s0 =	sor.u32 s1, s0  }
0xc0: {  	s0 =	sadd.s32 $0x8F2B, s0  }
0xc1: {  	[sflag:s0] =	ssyncadd.remote.s32 $0x1  }
0xc2: {  	_ =	sfence.sel $0xFFFF  }
0xc3: {  	[dreg:$0x0] =	wrdreg $0xFFFFFFFF;
	(pc) =	sbr.abs _section_cstart, $3  }
0xc4: {  	[dreg:$0x1] =	wrdreg $0xFFFFFFFF  }
0xc5: {  	_ =	task.clear_ibuf [dreg:s9], $0x2FFFF;
	_ =	strace $0x9FFFFFFF  }
0xc6: {  	(tm) =	ssettm $0x7FFFFFFF  }
0xc7: {  	_ =	shalt  }
tec
execute0_lowered:
.L_overlay_start_1:
0x0: {  	(tag) =	ssettag $0x1  }
0x1: {  	s4 =	rddreg [dreg:$0x0]  }
0x2: {  	s5 =	rddreg [dreg:$0x1]  }
0x3: {  	s6 =	rddreg [dreg:$0x2]  }
0x4: {  	s7 =	rddreg [dreg:$0x3]  }
0x5: {  	s0 =	rddreg [dreg:$0x4]  }
0x6: {  	s2 =	simm.s32 $0x0;
	s3 =	srdreg.scid;
	s1 =	stileid.u32  }
0x7: {  	v0 =	vlaneseq.u32;
	s12 =	simm.s32 $0x4400;
	s13 =	simm.s32 $0x1;
	s14 =	simm.s32 $0x2  }
0x8: {  	s15 =	simm.s32 $0x8400;
	s16 =	simm.s32 $0xA400;
	s17 =	simm.s32 $0x0;
	v0 =	vmul.u32 $0x10, v0  }
0x9: {  	[smem:$0x7FF] =	sst s2;
	s3 =	sand.u32 $0x1, s3;
	s9 =	sshll.u32 s1, $0x7  }
0xa: {  	_ =	strace $0x80000047;
	s8 =	ssub.s32 $0x2, s3;
	s10 =	sshll.u32 s3, $0x6;
	v1 =	vor.u32 $0x1, v0;
	v2 =	vor.u32 $0x2, v0;
	v3 =	vor.u32 $0x3, v0  }
0xb: {  	s3 =	sadd.s32 $0xF42800, s4;
	s4 =	sadd.s32 $0x1313200, s4;
	s11 =	sshrl.u32 s8, $0x1;
	v4 =	vor.u32 $0x4, v0;
	v5 =	vor.u32 $0x5, v0;
	v6 =	vor.u32 $0x6, v0  }
0xc: {  	s9 =	sor.u32 s10, s9;
	s10 =	simm.s32 $0x200;
	v7 =	vor.u32 $0x7, v0;
	v8 =	vor.u32 $0x8, v0;
	v9 =	vor.u32 $0x9, v0;
	s8 =	ssub.s32 s8, s11  }
0xd: {  	v10 =	vor.u32 $0xA, v0;
	v11 =	vor.u32 $0xB, v0;
	v12 =	vor.u32 $0xC, v0;
	s5 =	sadd.s32 s5, s9;
	s6 =	sadd.s32 s6, s9;
	s7 =	sadd.s32 s7, s9  }
0xe: {  	v13 =	vor.u32 $0xD, v0;
	v14 =	vor.u32 $0xE, v0;
	v15 =	vor.u32 $0xF, v0;
	s9 =	simm.s32 $0x3;
	s11 =	simm.s32 $0x400;
	s8 =	smax.u32 s8, $0x1  }
.LBB2_1:
0xf: {  	[tilespmem:s2], [sflag:$0x3] =	stream.linear.gather [hbm4b:s5+s2], $0x200, $0x38;
	[tilespmem:$0xA600] =	vst v63  }
0x10: {  	_ =	swait.ge [sflag:s9], $0x200  }
0x11: {  	[sflag:s9] =	ssyncset.done $0x0  }
0x12: {  	[sflag:s9] =	ssyncadd.s32 $0xFFFFFE00  }
0x13: {  	[tilespmem:s10], [sflag:$0x3] =	stream.linear.gather [hbm4b:s6+s2], $0x200, $0x38;
	[tilespmem:$0xA600] =	vst v63  }
0x14: {  	_ =	swait.ge [sflag:s9], $0x200  }
0x15: {  	[sflag:s9] =	ssyncset.done $0x0  }
0x16: {  	[sflag:s9] =	ssyncadd.s32 $0xFFFFFE00  }
0x17: {  	[tilespmem:s11], [sflag:$0x1] =	stream.indirect.gather [hbm4b:s3+s10], $0x20, s2, s10, $0xb8;
	[tilespmem:$0xA600] =	vst v63  }
0x18: {  	_ = 	snop  }
0x19: {  	[tilespmem:s12], [sflag:$0x2] =	stream.indirect.gather [hbm4b:s4+s10], $0x20, s10, s10, $0xb8;
	[tilespmem:$0xA600] =	vst v63  }
0x1a: {  	_ =	swait.ge [sflag:s13], $0x4000  }
0x1b: {  	[sflag:s13] =	ssyncset.done $0x0  }
0x1c: {  	[sflag:s13] =	ssyncadd.s32 $0xFFFFC000  }
0x1d: {  	_ =	swait.ge [sflag:s14], $0x4000  }
0x1e: {  	[sflag:s14] =	ssyncset.done $0x0  }
0x1f: {  	s18 =	simm.s32 $0x0;
	[sflag:s14] =	ssyncadd.s32 $0xFFFFC000  }
0x20: {  	v16 =	vld [tilespmem:s18+$0x4400]  }
0x21: {  	v17 =	vld [tilespmem:s18+$0x400]  }
0x22: {  	v18 =	vld [tilespmem:s18+$0x410]  }
0x23: {  	v19 =	vld [tilespmem:s18+$0x4410];
	_ =	sdelay $0x4  }
0x24: {  	v16 =	vmul.f32 v16, v17;
	v17 =	vmul.f32 v19, v18;
	_ =	sdelay $0x1  }
0x25: {  	v16 =	vadd.f32 v17, v16;
	_ =	sdelay $0x1  }
0x26: {  	s20 =	simm.s32 $0x20;
	[tilespmem:s15+$0x0] =	vst v16  }
0x27: {  	v16 =	vld [tilespmem:s20+$0x4400]  }
0x28: {  	v17 =	vld [tilespmem:s20+$0x400]  }
0x29: {  	s19 =	simm.s32 $0x100;
	s18 =	simm.s32 $0x8400;
	v18 =	vld [tilespmem:s20+$0x410]  }
.LBB2_2:
0x2a: {  	p0 =	sne.s32 s19, $0xFF80;
	v19 =	vld [tilespmem:s20+$0x4410];
	_ =	sdelay $0x4  }
0x2b: {  	v16 =	vmul.f32 v16, v17;
	v17 =	vmul.f32 v19, v18;
	_ =	sdelay $0x1  }
0x2c: {  	v16 =	vadd.f32 v17, v16  }
.Ltmp0:
0x2d: {  	s18 =	sadd.s32 $0x10, s18;
	(pc) =	sbr.rel @p0 .LBB2_2-.Ltmp0, $4  }
0x2e: {  	s20 =	sshra.s32 s19, $0x2;
	[tilespmem:s18+$0x0] =	vst v16  }
0x2f: {  	v16 =	vld [tilespmem:s20+$0x4400]  }
0x30: {  	v17 =	vld [tilespmem:s20+$0x400]  }
0x31: {  	s19 =	sadd.s32 $0x80, s19;
	v18 =	vld [tilespmem:s20+$0x410]  }
0x32: {  	v19 =	vld [tilespmem:s20+$0x4410];
	_ =	sdelay $0x3  }
0x33: {  	s19 =	simm.s32 $0x0  }
0x34: {  	v16 =	vmul.f32 v16, v17;
	v17 =	vmul.f32 v19, v18;
	v18 =	vor.u32 s19, v0;
	_ =	sdelay $0x1  }
0x35: {  	v16 =	vadd.f32 v17, v16;
	v17 =	vor.u32 s19, v1  }
0x36: {  	s18 =	sadd.s32 $0x10, s18  }
0x37: {  	[tilespmem:s18+$0x0] =	vst v16;
	v16 =	vor.u32 s19, v2  }
0x38: {  	v18 =	vld.idx.msk [tilespmem:v18+s15+$0x0], $0xffff  }
0x39: {  	v19 =	vor.u32 s19, v3  }
0x3a: {  	v17 =	vld.idx.msk [tilespmem:v17+s15+$0x0], $0xffff  }
0x3b: {  	v20 =	vor.u32 s19, v4  }
0x3c: {  	v16 =	vld.idx.msk [tilespmem:v16+s15+$0x0], $0xffff  }
0x3d: {  	v21 =	vor.u32 s19, v5;
	v18 =	vadd.f32 $0.0e+00, v18  }
0x3e: {  	v19 =	vld.idx.msk [tilespmem:v19+s15+$0x0], $0xffff  }
0x3f: {  	v22 =	vor.u32 s19, v6;
	v17 =	vadd.f32 v17, v18  }
0x40: {  	v18 =	vld.idx.msk [tilespmem:v20+s15+$0x0], $0xffff  }
0x41: {  	v20 =	vor.u32 s19, v7;
	v16 =	vadd.f32 v16, v17  }
0x42: {  	v17 =	vld.idx.msk [tilespmem:v21+s15+$0x0], $0xffff  }
0x43: {  	v51 =	vor.u32 s19, v8;
	v16 =	vadd.f32 v19, v16  }
0x44: {  	v19 =	vld.idx.msk [tilespmem:v22+s15+$0x0], $0xffff  }
0x45: {  	v52 =	vor.u32 s19, v9;
	v16 =	vadd.f32 v18, v16  }
0x46: {  	v18 =	vld.idx.msk [tilespmem:v20+s15+$0x0], $0xffff  }
0x47: {  	v20 =	vor.u32 s19, v10;
	v16 =	vadd.f32 v17, v16  }
0x48: {  	v17 =	vld.idx.msk [tilespmem:v51+s15+$0x0], $0xffff  }
0x49: {  	v53 =	vor.u32 s19, v11;
	v16 =	vadd.f32 v19, v16  }
0x4a: {  	v19 =	vld.idx.msk [tilespmem:v52+s15+$0x0], $0xffff  }
0x4b: {  	v54 =	vor.u32 s19, v12;
	v16 =	vadd.f32 v18, v16  }
0x4c: {  	v18 =	vld.idx.msk [tilespmem:v20+s15+$0x0], $0xffff  }
0x4d: {  	v20 =	vor.u32 s19, v13;
	v16 =	vadd.f32 v17, v16  }
0x4e: {  	v17 =	vld.idx.msk [tilespmem:v53+s15+$0x0], $0xffff  }
0x4f: {  	v55 =	vor.u32 s19, v14;
	v16 =	vadd.f32 v19, v16  }
0x50: {  	v19 =	vld.idx.msk [tilespmem:v54+s15+$0x0], $0xffff  }
0x51: {  	v56 =	vor.u32 s19, v15;
	v16 =	vadd.f32 v18, v16  }
0x52: {  	v18 =	vld.idx.msk [tilespmem:v20+s15+$0x0], $0xffff  }
0x53: {  	v16 =	vadd.f32 v17, v16  }
0x54: {  	v17 =	vld.idx.msk [tilespmem:v55+s15+$0x0], $0xffff  }
0x55: {  	v16 =	vadd.f32 v19, v16  }
0x56: {  	v19 =	vld.idx.msk [tilespmem:v56+s15+$0x0], $0xffff  }
0x57: {  	v16 =	vadd.f32 v18, v16  }
0x58: {  	s31 =	simm.s32 $0x100  }
0x59: {  	v18 =	vor.u32 s31, v0;
	v16 =	vadd.f32 v17, v16;
	_ =	sdelay $0x1  }
0x5a: {  	v17 =	vor.u32 s31, v1;
	v16 =	vadd.f32 v19, v16  }
0x5b: {  	s18 =	simm.s32 $0xA400  }
0x5c: {  	v19 =	vor.u32 s31, v2;
	[tilespmem:s18+$0x0] =	vst v16  }
0x5d: {  	v16 =	vld.idx.msk [tilespmem:v18+s15+$0x0], $0xffff  }
0x5e: {  	v18 =	vor.u32 s31, v3  }
0x5f: {  	v17 =	vld.idx.msk [tilespmem:v17+s15+$0x0], $0xffff  }
0x60: {  	v20 =	vor.u32 s31, v4  }
0x61: {  	v19 =	vld.idx.msk [tilespmem:v19+s15+$0x0], $0xffff  }
0x62: {  	v57 =	vor.u32 s31, v5;
	v16 =	vadd.f32 $0.0e+00, v16  }
0x63: {  	v18 =	vld.idx.msk [tilespmem:v18+s15+$0x0], $0xffff  }
0x64: {  	v58 =	vor.u32 s31, v6;
	v16 =	vadd.f32 v17, v16  }
0x65: {  	v17 =	vld.idx.msk [tilespmem:v20+s15+$0x0], $0xffff  }
0x66: {  	v20 =	vor.u32 s31, v7;
	v16 =	vadd.f32 v19, v16  }
0x67: {  	v19 =	vld.idx.msk [tilespmem:v57+s15+$0x0], $0xffff  }
0x68: {  	v59 =	vor.u32 s31, v8;
	v16 =	vadd.f32 v18, v16  }
0x69: {  	v18 =	vld.idx.msk [tilespmem:v58+s15+$0x0], $0xffff  }
0x6a: {  	v60 =	vor.u32 s31, v9;
	v16 =	vadd.f32 v17, v16  }
0x6b: {  	v17 =	vld.idx.msk [tilespmem:v20+s15+$0x0], $0xffff  }
0x6c: {  	v20 =	vor.u32 s31, v10;
	v16 =	vadd.f32 v19, v16  }
0x6d: {  	v19 =	vld.idx.msk [tilespmem:v59+s15+$0x0], $0xffff  }
0x6e: {  	v61 =	vor.u32 s31, v11;
	v16 =	vadd.f32 v18, v16  }
0x6f: {  	v18 =	vld.idx.msk [tilespmem:v60+s15+$0x0], $0xffff  }
0x70: {  	v16 =	vadd.f32 v17, v16  }
0x71: {  	v62 =	vor.u32 s31, v12;
	v17 =	vld.idx.msk [tilespmem:v20+s15+$0x0], $0xffff  }
0x72: {  	v16 =	vadd.f32 v19, v16  }
0x73: {  	v20 =	vor.u32 s31, v13;
	v19 =	vld.idx.msk [tilespmem:v61+s15+$0x0], $0xffff  }
0x74: {  	v16 =	vadd.f32 v18, v16;
	_ =	sdelay $0x1  }
0x75: {  	v63 =	vor.u32 s31, v14;
	v18 =	vld.idx.msk [tilespmem:v62+s15+$0x0], $0xffff;
	v16 =	vadd.f32 v17, v16;
	_ =	sdelay $0x1  }
0x76: {  	v17 =	vld.idx.msk [tilespmem:v20+s15+$0x0], $0xffff;
	v16 =	vadd.f32 v19, v16;
	v19 =	vor.u32 s31, v15;
	_ =	sdelay $0x2  }
0x77: {  	v20 =	vld.idx.msk [tilespmem:v63+s15+$0x0], $0xffff;
	v16 =	vadd.f32 v18, v16;
	_ =	sdelay $0x1  }
0x78: {  	v18 =	vadd.f32 v17, v16;
	v17 =	vld.idx.msk [tilespmem:v19+s15+$0x0], $0xffff;
	_ =	sdelay $0x1  }
0x79: {  	s19 =	simm.s32 $0x200  }
0x7a: {  	s20 =	simm.s32 $0x300;
	v16 =	vor.u32 s19, v0;
	v18 =	vadd.f32 v20, v18  }
.LBB2_4:
0x7b: {  	p0 =	sne.s32 s20, $0x1F00  }
0x7c: {  	v19 =	vor.u32 s19, v1;
	v17 =	vadd.f32 v17, v18  }
0x7d: {  	s18 =	sadd.s32 $0x10, s18  }
0x7e: {  	v18 =	vor.u32 s19, v2;
	[tilespmem:s18+$0x0] =	vst v17  }
0x7f: {  	v16 =	vld.idx.msk [tilespmem:v16+s15+$0x0], $0xffff  }
0x80: {  	v17 =	vor.u32 s19, v3  }
0x81: {  	v19 =	vld.idx.msk [tilespmem:v19+s15+$0x0], $0xffff  }
0x82: {  	v20 =	vor.u32 s19, v4  }
0x83: {  	v18 =	vld.idx.msk [tilespmem:v18+s15+$0x0], $0xffff  }
0x84: {  	v21 =	vor.u32 s19, v5  }
0x85: {  	v16 =	vadd.f32 $0.0e+00, v16;
	v17 =	vld.idx.msk [tilespmem:v17+s15+$0x0], $0xffff  }
0x86: {  	v22 =	vor.u32 s19, v6  }
0x87: {  	v16 =	vadd.f32 v19, v16;
	v19 =	vld.idx.msk [tilespmem:v20+s15+$0x0], $0xffff  }
0x88: {  	v20 =	vor.u32 s19, v7  }
0x89: {  	v16 =	vadd.f32 v18, v16;
	v18 =	vld.idx.msk [tilespmem:v21+s15+$0x0], $0xffff  }
0x8a: {  	v21 =	vor.u32 s19, v8  }
0x8b: {  	v16 =	vadd.f32 v17, v16;
	v17 =	vld.idx.msk [tilespmem:v22+s15+$0x0], $0xffff  }
0x8c: {  	v22 =	vor.u32 s19, v9  }
0x8d: {  	v16 =	vadd.f32 v19, v16;
	v19 =	vld.idx.msk [tilespmem:v20+s15+$0x0], $0xffff  }
0x8e: {  	v20 =	vor.u32 s19, v10  }
0x8f: {  	v16 =	vadd.f32 v18, v16;
	v18 =	vld.idx.msk [tilespmem:v21+s15+$0x0], $0xffff  }
0x90: {  	v21 =	vor.u32 s19, v11  }
0x91: {  	v16 =	vadd.f32 v17, v16;
	v17 =	vld.idx.msk [tilespmem:v22+s15+$0x0], $0xffff  }
0x92: {  	v22 =	vor.u32 s19, v12  }
0x93: {  	v16 =	vadd.f32 v19, v16;
	v19 =	vld.idx.msk [tilespmem:v20+s15+$0x0], $0xffff  }
0x94: {  	v20 =	vor.u32 s19, v13  }
0x95: {  	v16 =	vadd.f32 v18, v16;
	v18 =	vld.idx.msk [tilespmem:v21+s15+$0x0], $0xffff  }
0x96: {  	v21 =	vor.u32 s19, v14  }
0x97: {  	v16 =	vadd.f32 v17, v16;
	v17 =	vld.idx.msk [tilespmem:v22+s15+$0x0], $0xffff  }
0x98: {  	v22 =	vor.u32 s19, v15;
	s19 =	smov.u32 s20  }
0x99: {  	v16 =	vadd.f32 v19, v16;
	v19 =	vld.idx.msk [tilespmem:v20+s15+$0x0], $0xffff;
	_ =	sdelay $0x1  }
0x9a: {  	v16 =	vadd.f32 v18, v16;
	v18 =	vld.idx.msk [tilespmem:v21+s15+$0x0], $0xffff;
	_ =	sdelay $0x1  }
.Ltmp1:
0x9b: {  	v16 =	vadd.f32 v17, v16;
	v17 =	vld.idx.msk [tilespmem:v22+s15+$0x0], $0xffff;
	(pc) =	sbr.rel @p0 .LBB2_4-.Ltmp1, $3  }
0x9c: {  	_ = 	snop  }
0x9d: {  	v19 =	vadd.f32 v19, v16;
	_ =	sdelay $0x1  }
0x9e: {  	s20 =	sadd.s32 $0x100, s20;
	v16 =	vor.u32 s19, v0;
	v18 =	vadd.f32 v18, v19  }
0x9f: {  	_ = 	snop  }
0xa0: {  	v19 =	vor.u32 s19, v1;
	v17 =	vadd.f32 v17, v18  }
0xa1: {  	s18 =	sadd.s32 $0x10, s18  }
0xa2: {  	v46 =	vor.u32 s19, v2;
	[tilespmem:s18+$0x0] =	vst v17  }
0xa3: {  	v16 =	vld.idx.msk [tilespmem:v16+s15+$0x0], $0xffff  }
0xa4: {  	v17 =	vor.u32 s19, v3  }
0xa5: {  	v19 =	vld.idx.msk [tilespmem:v19+s15+$0x0], $0xffff  }
0xa6: {  	v20 =	vor.u32 s19, v4  }
0xa7: {  	v18 =	vld.idx.msk [tilespmem:v46+s15+$0x0], $0xffff  }
0xa8: {  	v21 =	vor.u32 s19, v5;
	v16 =	vadd.f32 $0.0e+00, v16  }
0xa9: {  	v17 =	vld.idx.msk [tilespmem:v17+s15+$0x0], $0xffff  }
0xaa: {  	v22 =	vor.u32 s19, v6;
	v16 =	vadd.f32 v19, v16  }
0xab: {  	v47 =	vld.idx.msk [tilespmem:v20+s15+$0x0], $0xffff  }
0xac: {  	v48 =	vor.u32 s19, v7;
	v16 =	vadd.f32 v18, v16  }
0xad: {  	v49 =	vld.idx.msk [tilespmem:v21+s15+$0x0], $0xffff  }
0xae: {  	v50 =	vor.u32 s19, v8;
	v16 =	vadd.f32 v17, v16  }
0xaf: {  	v17 =	vld.idx.msk [tilespmem:v22+s15+$0x0], $0xffff  }
0xb0: {  	v51 =	vor.u32 s19, v9;
	v16 =	vadd.f32 v47, v16  }
0xb1: {  	v52 =	vld.idx.msk [tilespmem:v48+s15+$0x0], $0xffff  }
0xb2: {  	v53 =	vor.u32 s19, v10;
	v16 =	vadd.f32 v49, v16  }
0xb3: {  	v54 =	vld.idx.msk [tilespmem:v50+s15+$0x0], $0xffff  }
0xb4: {  	v55 =	vor.u32 s19, v11;
	v16 =	vadd.f32 v17, v16  }
0xb5: {  	v17 =	vld.idx.msk [tilespmem:v51+s15+$0x0], $0xffff  }
0xb6: {  	v56 =	vor.u32 s19, v12;
	v16 =	vadd.f32 v52, v16  }
0xb7: {  	v57 =	vld.idx.msk [tilespmem:v53+s15+$0x0], $0xffff  }
0xb8: {  	v58 =	vor.u32 s19, v13;
	v16 =	vadd.f32 v54, v16  }
0xb9: {  	v59 =	vld.idx.msk [tilespmem:v55+s15+$0x0], $0xffff  }
0xba: {  	v60 =	vor.u32 s19, v14;
	v16 =	vadd.f32 v17, v16  }
0xbb: {  	v17 =	vld.idx.msk [tilespmem:v56+s15+$0x0], $0xffff  }
0xbc: {  	v61 =	vor.u32 s19, v15;
	v16 =	vadd.f32 v57, v16  }
0xbd: {  	v62 =	vld.idx.msk [tilespmem:v58+s15+$0x0], $0xffff  }
0xbe: {  	v16 =	vadd.f32 v59, v16  }
0xbf: {  	v63 =	vld.idx.msk [tilespmem:v60+s15+$0x0], $0xffff  }
0xc0: {  	v16 =	vadd.f32 v17, v16  }
0xc1: {  	v17 =	vld.idx.msk [tilespmem:v61+s15+$0x0], $0xffff  }
0xc2: {  	v16 =	vadd.f32 v62, v16;
	_ =	sdelay $0x1  }
0xc3: {  	v16 =	vadd.f32 v63, v16;
	_ =	sdelay $0x1  }
0xc4: {  	s17 =	sadd.s32 $0x1, s17;
	v16 =	vadd.f32 v17, v16  }
0xc5: {  	p0 =	sne.s32 s17, s8;
	s18 =	sadd.s32 $0x10, s18  }
.Ltmp2:
0xc6: {  	[tilespmem:s18+$0x0] =	vst v16;
	(pc) =	sbr.rel @p0 .LBB2_1-.Ltmp2, $4  }
0xc7: {  	[hbm4b:s7+s2] =	stream.linear.scatter [tilespmem:s16], [sflag:$0x3], $0x200, $0x38;
	[tilespmem:$0xA600] =	vst v63  }
0xc8: {  	_ =	swait.ge [sflag:s9], $0x200  }
0xc9: {  	[sflag:s9] =	ssyncset.done $0x0  }
0xca: {  	[sflag:s9] =	ssyncadd.s32 $0xFFFFFE00  }
0xcb: {  	_ =	sfence.sel $0x180000  }
0xcc: {  	[bflag:$0x0] =	sbarrier.arrive $0xFFFF  }
0xcd: {  	p0 =	sne.s32 s1, $0x0;
	_ =	strace $0x90000047  }
0xce: {  	s0 =	sadd.s32 @!p0 $0x100000, s0;
	[bflag:$0x2] =	sbarrier.arrive $0xFFFF  }
0xcf: {  	[sflag:s0] =	ssyncadd.tile.s32 @!p0 $0x1;
	_ =	shalt  }
.Lfunc_end2:
_tile_overlayer_lowered:
.L_overlay_start_2:
0xd0: {  	(tag) =	ssettag $0x2  }
0xd1: {  	s0 =	rddreg [dreg:$0x0];
	s2 =	stileid.u32  }
0xd2: {  	s1 =	rddreg [dreg:$0x1];
	p0 =	sne.s32 s2, $0x0  }
0xd3: {  	s3 =	rddreg [dreg:$0x2];
	[bflag:$0x3] =	sbarrier.arrive $0xFFFF;
	s2 =	simm.s32 @!p0 $0x1C03  }
0xd4: {  	[timem:s3], [sflag:s2] =	dma.local @!p0 [hbm:s0], s1  }
0xd5: {  	s0 =	simm.s32 @!p0 $0x3  }
0xd6: {  	_ =	swait.ge @!p0 [sflag:s0], s1  }
0xd7: {  	s1 =	ssub.s32 @!p0 $0x0, s1;
	[sflag:s0] =	ssyncset.done @!p0 $0x0  }
0xd8: {  	[sflag:s0] =	ssyncadd.s32 @!p0 s1  }
0xd9: {  	[bflag:$0x3] =	sbarrier.arrive $0xFFFF  }
0xda: {  	_ =	shalt  }

</sc_bundles>
